<compile_context>
chip_gen: v7x
topology: tpu7x:2x2x1
jax: 0.10.2.dev20260603
libtpu: 0.0.44.dev20260713+nightly
codegen_flags: <defaults>
</compile_context>

<pallas_src>
import functools

import jax
import jax.numpy as jnp
from jax import lax
from jax.experimental import pallas as pl
from jax.experimental.pallas import tpu as pltpu
from jax.experimental.pallas import tpu_sc as plsc

HIST = 200
D = 16
NSUB = 16
PER_W = 16
NPAD = NSUB * PER_W


def _ehr_sc(idx_pad, emb3, w16, b16):
    mesh = plsc.VectorSubcoreMesh(core_axis_name="c", subcore_axis_name="s")

    @functools.partial(
        pl.kernel,
        mesh=mesh,
        compiler_params=pltpu.CompilerParams(needs_layout_passes=False),
        out_type=[
            jax.ShapeDtypeStruct((D,), jnp.float32),
            jax.ShapeDtypeStruct((D,), jnp.float32),
            jax.ShapeDtypeStruct((NSUB, 8 * D), jnp.float32),
        ],
        scratch_types=[
            pltpu.VMEM((PER_W,), jnp.int32),
            pltpu.VMEM((PER_W, 8 * D), jnp.float32),
            pltpu.VMEM((D,), jnp.float32),
            pltpu.VMEM((D,), jnp.float32),
            pltpu.VMEM((D,), jnp.float32),
            pltpu.VMEM((NSUB, 8 * D), jnp.float32),
            pltpu.SemaphoreType.DMA,
        ],
    )
    def k(idx_hbm, emb_hbm, w_hbm, b_hbm, emb_out, sig_out, part_out,
          idx_v, rows_v, vec_v, w_v, b_v, all_v, sem):
        cid = lax.axis_index("c")
        sid = lax.axis_index("s")

        @pl.when(cid == 0)
        def _():
            base = sid * PER_W
            pltpu.sync_copy(idx_hbm.at[pl.ds(base, PER_W)], idx_v)
            ids = idx_v[...]
            hi = lax.shift_right_logical(ids, 3)
            lo = jnp.bitwise_and(ids, 7)
            pltpu.async_copy(emb_hbm.at[hi], rows_v, sem).wait()
            lane = lax.iota(jnp.int32, PER_W)
            validf = jnp.clip(HIST - base - lane, 0, 1).astype(jnp.float32)
            col = lo * D
            vec_v[...] = jnp.zeros((D,), jnp.float32)
            for dcomp in range(D):
                vals = plsc.load_gather(rows_v, [lane, col + dcomp])
                plsc.addupdate_scatter(
                    vec_v, [jnp.full((PER_W,), dcomp, jnp.int32)],
                    vals * validf)
            pltpu.sync_copy(vec_v, part_out.at[sid, pl.ds(0, D)])

        plsc.subcore_barrier()

        @pl.when(jnp.logical_and(cid == 0, sid == 0))
        def _():
            rid = lax.iota(jnp.int32, NSUB)
            pltpu.async_copy(part_out.at[rid], all_v, sem).wait()
            lane = lax.iota(jnp.int32, D)
            parts = [
                plsc.load_gather(all_v, [jnp.full((D,), i, jnp.int32), lane])
                for i in range(NSUB)
            ]
            while len(parts) > 1:
                parts = [parts[i] + parts[i + 1]
                         for i in range(0, len(parts), 2)]
            acc = parts[0]
            vec_v[...] = acc
            pltpu.sync_copy(vec_v, emb_out)
            pltpu.sync_copy(w_hbm, w_v)
            pltpu.sync_copy(b_hbm, b_v)
            prod = acc * w_v[...]
            x = jnp.full((D,), jnp.sum(prod), jnp.float32) + b_v[...]
            vec_v[...] = 1.0 / (1.0 + jnp.exp(-x))
            pltpu.sync_copy(vec_v, sig_out)

    return k(idx_pad, emb3, w16, b16)


def kernel(label, ehr_seq, emb, W, b):
    idx = ehr_seq.astype(jnp.int32)
    idx_pad = jnp.pad(idx, (0, NPAD - HIST))
    emb3 = emb.reshape(emb.shape[0] // 8, 8 * D)
    w16 = W.reshape(D).astype(jnp.float32)
    b16 = jnp.broadcast_to(b.astype(jnp.float32), (D,))
    pooled, sig, _ = _ehr_sc(idx_pad, emb3, w16, b16)
    embedded = pooled.reshape(1, D)
    output = sig[:1].reshape(1, 1)
    return (output, label, embedded)

# --- scband reference (transcript-rebuilt; emitter-appended) ---
"""Pipeline reference for scband-ehr-lr-19464791786021 (READ-ONLY COPY).

The authoritative reference and input builder live on the scoring server;
editing this copy changes nothing except your own understanding.
"""

import jax, jax.numpy as jnp
import numpy as np

VOCAB = 1000000
EMBED_DIM = 16
HIST_LEN = 200

def setup_inputs(seed: int = 0) -> dict:
    key = jax.random.key(seed)
    k1, k2, k3, k4 = jax.random.split(key, 4)
    ehr_seq = jax.random.randint(k1, (HIST_LEN,), 0, VOCAB)
    label = jax.random.uniform(k2, (1, 1), dtype=jnp.float32)
    emb = jax.random.normal(k3, (VOCAB, EMBED_DIM), dtype=jnp.float32) * 0.02
    W = jax.random.normal(k4, (EMBED_DIM, 1), dtype=jnp.float32) * 0.1
    b = jnp.zeros((1,), dtype=jnp.float32)
    return {"label": label, "ehr_seq": ehr_seq, "emb": emb, "W": W, "b": b}

def reference(label, ehr_seq, emb, W, b):
    # embedding lookup: gather rows of the table by code ids
    embedded = jnp.take(emb, ehr_seq, axis=0).reshape(-1, EMBED_DIM)
    # sum-pool the visit codes into a single patient representation
    embedded = jnp.sum(embedded, axis=0).reshape(1, -1)
    # linear head + sigmoid
    output = jax.nn.sigmoid(embedded @ W + b)
    return (output, label, embedded)

if __name__ == "__main__":
    import jax
    _d = setup_inputs()
    print(jax.jit(kernel)(*tuple(_d.values())))

</pallas_src>

<mosaic_0001>
#map = affine_map<(d0, d1) -> (0)>
#map1 = affine_map<(d0, d1) -> (0, 0)>
module attributes {stable_mosaic.version = 14 : i64} {
  func.func @k(%arg0: i32, %arg1: i32, %arg2: memref<256xi32, #tpu.memory_space<hbm>>, %arg3: memref<125000x128xf32, #tpu.memory_space<hbm>>, %arg4: memref<16xf32, #tpu.memory_space<hbm>>, %arg5: memref<16xf32, #tpu.memory_space<hbm>>, %arg6: memref<16xf32, #tpu.memory_space<hbm>>, %arg7: memref<16xf32, #tpu.memory_space<hbm>>, %arg8: memref<16x128xf32, #tpu.memory_space<hbm>>, %arg9: memref<16xi32, #tpu.memory_space<vmem>>, %arg10: memref<16x128xf32, #tpu.memory_space<vmem>>, %arg11: memref<16xf32, #tpu.memory_space<vmem>>, %arg12: memref<16xf32, #tpu.memory_space<vmem>>, %arg13: memref<16xf32, #tpu.memory_space<vmem>>, %arg14: memref<16x128xf32, #tpu.memory_space<vmem>>, %arg15: memref<!tpu.dma_semaphore, #tpu.memory_space<semaphore_mem>>) attributes {dimension_semantics = [#tpu.dimension_semantics<core_parallel>, #tpu.dimension_semantics<subcore_parallel>], iteration_bounds = array<i64: 2, 16>, scalar_prefetch = 0 : i64, scratch_operands = 7 : i64, tpu.core_type = #tpu.core_type<sc_vector_subcore>, window_params = [{transform_indices = #map}, {transform_indices = #map1}, {transform_indices = #map}, {transform_indices = #map}, {transform_indices = #map}, {transform_indices = #map}, {transform_indices = #map1}]} {
    %eq3A = arith.constant 0 : i32
    %eq3A_0 = arith.cmpi eq, %arg0, %eq3A : i32
    %convert_element_type3A = arith.extui %eq3A_0 : i1 to i32
    %cond3A = arith.constant 0 : i32
    %cond3A_1 = arith.cmpi ne, %convert_element_type3A, %cond3A : i32
    scf.if %cond3A_1 {
      %mul3A = arith.constant 16 : i32
      %mul3A_9 = arith.muli %arg1, %mul3A : i32
      "tpu.region"() ({
        %run_scoped3A = tpu.sem_alloc : memref<!tpu.dma_semaphore, #tpu.memory_space<semaphore_mem>>
        %dma_start3A_142 = tpu.memref_slice %arg2[%mul3A_9] : memref<256xi32, #tpu.memory_space<hbm>> -> memref<16xi32, #tpu.memory_space<hbm>>
        %dma_start3A_143 = tpu.memref_slice %arg2[%mul3A_9] : memref<256xi32, #tpu.memory_space<hbm>> -> memref<16xi32, #tpu.memory_space<hbm>>
        tpu.enqueue_dma source(%dma_start3A_143 : memref<16xi32, #tpu.memory_space<hbm>>) target(%arg9 : memref<16xi32, #tpu.memory_space<vmem>>) target_semaphore(%run_scoped3A : memref<!tpu.dma_semaphore, #tpu.memory_space<semaphore_mem>>)
        %dma_wait3A_144 = tpu.memref_slice %arg2[%mul3A_9] : memref<256xi32, #tpu.memory_space<hbm>> -> memref<16xi32, #tpu.memory_space<hbm>>
        %dma_wait3A_145 = tpu.memref_slice %arg2[%mul3A_9] : memref<256xi32, #tpu.memory_space<hbm>> -> memref<16xi32, #tpu.memory_space<hbm>>
        tpu.wait_dma2 semaphore(%run_scoped3A : memref<!tpu.dma_semaphore, #tpu.memory_space<semaphore_mem>>) src(%dma_wait3A_145 : memref<16xi32, #tpu.memory_space<hbm>>) dst(%arg9 : memref<16xi32, #tpu.memory_space<vmem>>)
        tpu.yield
      }) : () -> ()
      %get3A = arith.constant 0 : index
      %get3A_10 = tpu.vector_load %arg9[%get3A] {strides = array<i32>} : memref<16xi32, #tpu.memory_space<vmem>>, vector<16xi32>,
      %shift_right_logical3A = arith.constant 3 : i32
      %shift_right_logical3A_11 = vector.broadcast %shift_right_logical3A : i32 to vector<16xi32>
      %shift_right_logical3A_12 = arith.shrui %get3A_10, %shift_right_logical3A_11 : vector<16xi32>
      %and3A_13 = arith.constant 7 : i32
      %and3A_14 = vector.broadcast %and3A_13 : i32 to vector<16xi32>
      %and3A_15 = arith.andi %get3A_10, %and3A_14 : vector<16xi32>
      %dma_start3A = arith.constant 0 : i32
      %dma_start3A_16 = arith.constant 0 : i32
      %dma_start3A_17 = tpu.memref_slice %arg3[%dma_start3A, %dma_start3A_16] : memref<125000x128xf32, #tpu.memory_space<hbm>> -> memref<125000x128xf32, #tpu.memory_space<hbm>>
      tpu.enqueue_indirect_dma source(%dma_start3A_17 : memref<125000x128xf32, #tpu.memory_space<hbm>>) target(%arg10 : memref<16x128xf32, #tpu.memory_space<vmem>>) offsets(%shift_right_logical3A_12 : vector<16xi32>) semaphore(%arg15 : memref<!tpu.dma_semaphore, #tpu.memory_space<semaphore_mem>>)
      %dma_wait3A = arith.constant 0 : i32
      %dma_wait3A_18 = arith.constant 0 : i32
      %dma_wait3A_19 = tpu.memref_slice %arg3[%dma_wait3A, %dma_wait3A_18] : memref<125000x128xf32, #tpu.memory_space<hbm>> -> memref<125000x128xf32, #tpu.memory_space<hbm>>
      tpu.wait_indirect_dma semaphore(%arg15 : memref<!tpu.dma_semaphore, #tpu.memory_space<semaphore_mem>>) src(%dma_wait3A_19 : memref<125000x128xf32, #tpu.memory_space<hbm>>) dst(%arg10 : memref<16x128xf32, #tpu.memory_space<vmem>>)
      %iota3A = tpu.iota {dimensions = array<i32: 0>} : vector<16xi32>
      %sub3A = arith.constant 200 : i32
      %sub3A_20 = arith.subi %sub3A, %mul3A_9 : i32
      %sub3A_21 = vector.broadcast %sub3A_20 : i32 to vector<16xi32>
      %sub3A_22 = arith.subi %sub3A_21, %iota3A : vector<16xi32>
      %jit3A = arith.constant 0 : i32
      %jit3A_23 = arith.constant 1 : i32
      %max3A = vector.broadcast %jit3A : i32 to vector<16xi32>
      %max3A_24 = arith.maxsi %max3A, %sub3A_22 : vector<16xi32>
      %min3A = vector.broadcast %jit3A_23 : i32 to vector<16xi32>
      %min3A_25 = arith.minsi %min3A, %max3A_24 : vector<16xi32>
      %convert_element_type3A_26 = arith.sitofp %min3A_25 : vector<16xi32> to vector<16xf32>
      %mul3A_27 = arith.constant 16 : i32
      %mul3A_28 = vector.broadcast %mul3A_27 : i32 to vector<16xi32>
      %mul3A_29 = arith.muli %and3A_15, %mul3A_28 : vector<16xi32>
      %broadcast_in_dim3A = arith.constant 0.000000e+00 : f32
      %broadcast_in_dim3A_30 = vector.broadcast %broadcast_in_dim3A : f32 to vector<16xf32>
      %swap3A = arith.constant 0 : index
      %swap3A_31 = tpu.vector_load %arg11[%swap3A] {strides = array<i32>} : memref<16xf32, #tpu.memory_space<vmem>>, vector<16xf32>,
      tpu.vector_store %arg11[%swap3A], %broadcast_in_dim3A_30 {strides = array<i32>} : memref<16xf32, #tpu.memory_space<vmem>>, vector<16xf32>,
      %add3A = arith.constant 0 : i32
      %add3A_32 = vector.broadcast %add3A : i32 to vector<16xi32>
      %add3A_33 = arith.addi %mul3A_29, %add3A_32 : vector<16xi32>
      %gather3A = tpu.vector_load_idx %arg10[%iota3A, %add3A_33] : memref<16x128xf32, #tpu.memory_space<vmem>>[vector<16xi32>, vector<16xi32>], vector<16xf32>,
      %broadcast_in_dim3A_34 = arith.constant 0 : i32
      %broadcast_in_dim3A_35 = vector.broadcast %broadcast_in_dim3A_34 : i32 to vector<16xi32>
      %mul3A_36 = arith.mulf %gather3A, %convert_element_type3A_26 : vector<16xf32>
      tpu.vector_store_idx %arg11[%broadcast_in_dim3A_35], %mul3A_36 {add = true} : memref<16xf32, #tpu.memory_space<vmem>>[vector<16xi32>], vector<16xf32>,
      %add3A_37 = arith.constant 1 : i32
      %add3A_38 = vector.broadcast %add3A_37 : i32 to vector<16xi32>
      %add3A_39 = arith.addi %mul3A_29, %add3A_38 : vector<16xi32>
      %gather3A_40 = tpu.vector_load_idx %arg10[%iota3A, %add3A_39] : memref<16x128xf32, #tpu.memory_space<vmem>>[vector<16xi32>, vector<16xi32>], vector<16xf32>,
      %broadcast_in_dim3A_41 = arith.constant 1 : i32
      %broadcast_in_dim3A_42 = vector.broadcast %broadcast_in_dim3A_41 : i32 to vector<16xi32>
      %mul3A_43 = arith.mulf %gather3A_40, %convert_element_type3A_26 : vector<16xf32>
      tpu.vector_store_idx %arg11[%broadcast_in_dim3A_42], %mul3A_43 {add = true} : memref<16xf32, #tpu.memory_space<vmem>>[vector<16xi32>], vector<16xf32>,
      %add3A_44 = arith.constant 2 : i32
      %add3A_45 = vector.broadcast %add3A_44 : i32 to vector<16xi32>
      %add3A_46 = arith.addi %mul3A_29, %add3A_45 : vector<16xi32>
      %gather3A_47 = tpu.vector_load_idx %arg10[%iota3A, %add3A_46] : memref<16x128xf32, #tpu.memory_space<vmem>>[vector<16xi32>, vector<16xi32>], vector<16xf32>,
      %broadcast_in_dim3A_48 = arith.constant 2 : i32
      %broadcast_in_dim3A_49 = vector.broadcast %broadcast_in_dim3A_48 : i32 to vector<16xi32>
      %mul3A_50 = arith.mulf %gather3A_47, %convert_element_type3A_26 : vector<16xf32>
      tpu.vector_store_idx %arg11[%broadcast_in_dim3A_49], %mul3A_50 {add = true} : memref<16xf32, #tpu.memory_space<vmem>>[vector<16xi32>], vector<16xf32>,
      %add3A_51 = arith.constant 3 : i32
      %add3A_52 = vector.broadcast %add3A_51 : i32 to vector<16xi32>
      %add3A_53 = arith.addi %mul3A_29, %add3A_52 : vector<16xi32>
      %gather3A_54 = tpu.vector_load_idx %arg10[%iota3A, %add3A_53] : memref<16x128xf32, #tpu.memory_space<vmem>>[vector<16xi32>, vector<16xi32>], vector<16xf32>,
      %broadcast_in_dim3A_55 = arith.constant 3 : i32
      %broadcast_in_dim3A_56 = vector.broadcast %broadcast_in_dim3A_55 : i32 to vector<16xi32>
      %mul3A_57 = arith.mulf %gather3A_54, %convert_element_type3A_26 : vector<16xf32>
      tpu.vector_store_idx %arg11[%broadcast_in_dim3A_56], %mul3A_57 {add = true} : memref<16xf32, #tpu.memory_space<vmem>>[vector<16xi32>], vector<16xf32>,
      %add3A_58 = arith.constant 4 : i32
      %add3A_59 = vector.broadcast %add3A_58 : i32 to vector<16xi32>
      %add3A_60 = arith.addi %mul3A_29, %add3A_59 : vector<16xi32>
      %gather3A_61 = tpu.vector_load_idx %arg10[%iota3A, %add3A_60] : memref<16x128xf32, #tpu.memory_space<vmem>>[vector<16xi32>, vector<16xi32>], vector<16xf32>,
      %broadcast_in_dim3A_62 = arith.constant 4 : i32
      %broadcast_in_dim3A_63 = vector.broadcast %broadcast_in_dim3A_62 : i32 to vector<16xi32>
      %mul3A_64 = arith.mulf %gather3A_61, %convert_element_type3A_26 : vector<16xf32>
      tpu.vector_store_idx %arg11[%broadcast_in_dim3A_63], %mul3A_64 {add = true} : memref<16xf32, #tpu.memory_space<vmem>>[vector<16xi32>], vector<16xf32>,
      %add3A_65 = arith.constant 5 : i32
      %add3A_66 = vector.broadcast %add3A_65 : i32 to vector<16xi32>
      %add3A_67 = arith.addi %mul3A_29, %add3A_66 : vector<16xi32>
      %gather3A_68 = tpu.vector_load_idx %arg10[%iota3A, %add3A_67] : memref<16x128xf32, #tpu.memory_space<vmem>>[vector<16xi32>, vector<16xi32>], vector<16xf32>,
      %broadcast_in_dim3A_69 = arith.constant 5 : i32
      %broadcast_in_dim3A_70 = vector.broadcast %broadcast_in_dim3A_69 : i32 to vector<16xi32>
      %mul3A_71 = arith.mulf %gather3A_68, %convert_element_type3A_26 : vector<16xf32>
      tpu.vector_store_idx %arg11[%broadcast_in_dim3A_70], %mul3A_71 {add = true} : memref<16xf32, #tpu.memory_space<vmem>>[vector<16xi32>], vector<16xf32>,
      %add3A_72 = arith.constant 6 : i32
      %add3A_73 = vector.broadcast %add3A_72 : i32 to vector<16xi32>
      %add3A_74 = arith.addi %mul3A_29, %add3A_73 : vector<16xi32>
      %gather3A_75 = tpu.vector_load_idx %arg10[%iota3A, %add3A_74] : memref<16x128xf32, #tpu.memory_space<vmem>>[vector<16xi32>, vector<16xi32>], vector<16xf32>,
      %broadcast_in_dim3A_76 = arith.constant 6 : i32
      %broadcast_in_dim3A_77 = vector.broadcast %broadcast_in_dim3A_76 : i32 to vector<16xi32>
      %mul3A_78 = arith.mulf %gather3A_75, %convert_element_type3A_26 : vector<16xf32>
      tpu.vector_store_idx %arg11[%broadcast_in_dim3A_77], %mul3A_78 {add = true} : memref<16xf32, #tpu.memory_space<vmem>>[vector<16xi32>], vector<16xf32>,
      %add3A_79 = arith.constant 7 : i32
      %add3A_80 = vector.broadcast %add3A_79 : i32 to vector<16xi32>
      %add3A_81 = arith.addi %mul3A_29, %add3A_80 : vector<16xi32>
      %gather3A_82 = tpu.vector_load_idx %arg10[%iota3A, %add3A_81] : memref<16x128xf32, #tpu.memory_space<vmem>>[vector<16xi32>, vector<16xi32>], vector<16xf32>,
      %broadcast_in_dim3A_83 = arith.constant 7 : i32
      %broadcast_in_dim3A_84 = vector.broadcast %broadcast_in_dim3A_83 : i32 to vector<16xi32>
      %mul3A_85 = arith.mulf %gather3A_82, %convert_element_type3A_26 : vector<16xf32>
      tpu.vector_store_idx %arg11[%broadcast_in_dim3A_84], %mul3A_85 {add = true} : memref<16xf32, #tpu.memory_space<vmem>>[vector<16xi32>], vector<16xf32>,
      %add3A_86 = arith.constant 8 : i32
      %add3A_87 = vector.broadcast %add3A_86 : i32 to vector<16xi32>
      %add3A_88 = arith.addi %mul3A_29, %add3A_87 : vector<16xi32>
      %gather3A_89 = tpu.vector_load_idx %arg10[%iota3A, %add3A_88] : memref<16x128xf32, #tpu.memory_space<vmem>>[vector<16xi32>, vector<16xi32>], vector<16xf32>,
      %broadcast_in_dim3A_90 = arith.constant 8 : i32
      %broadcast_in_dim3A_91 = vector.broadcast %broadcast_in_dim3A_90 : i32 to vector<16xi32>
      %mul3A_92 = arith.mulf %gather3A_89, %convert_element_type3A_26 : vector<16xf32>
      tpu.vector_store_idx %arg11[%broadcast_in_dim3A_91], %mul3A_92 {add = true} : memref<16xf32, #tpu.memory_space<vmem>>[vector<16xi32>], vector<16xf32>,
      %add3A_93 = arith.constant 9 : i32
      %add3A_94 = vector.broadcast %add3A_93 : i32 to vector<16xi32>
      %add3A_95 = arith.addi %mul3A_29, %add3A_94 : vector<16xi32>
      %gather3A_96 = tpu.vector_load_idx %arg10[%iota3A, %add3A_95] : memref<16x128xf32, #tpu.memory_space<vmem>>[vector<16xi32>, vector<16xi32>], vector<16xf32>,
      %broadcast_in_dim3A_97 = arith.constant 9 : i32
      %broadcast_in_dim3A_98 = vector.broadcast %broadcast_in_dim3A_97 : i32 to vector<16xi32>
      %mul3A_99 = arith.mulf %gather3A_96, %convert_element_type3A_26 : vector<16xf32>
      tpu.vector_store_idx %arg11[%broadcast_in_dim3A_98], %mul3A_99 {add = true} : memref<16xf32, #tpu.memory_space<vmem>>[vector<16xi32>], vector<16xf32>,
      %add3A_100 = arith.constant 10 : i32
      %add3A_101 = vector.broadcast %add3A_100 : i32 to vector<16xi32>
      %add3A_102 = arith.addi %mul3A_29, %add3A_101 : vector<16xi32>
      %gather3A_103 = tpu.vector_load_idx %arg10[%iota3A, %add3A_102] : memref<16x128xf32, #tpu.memory_space<vmem>>[vector<16xi32>, vector<16xi32>], vector<16xf32>,
      %broadcast_in_dim3A_104 = arith.constant 10 : i32
      %broadcast_in_dim3A_105 = vector.broadcast %broadcast_in_dim3A_104 : i32 to vector<16xi32>
      %mul3A_106 = arith.mulf %gather3A_103, %convert_element_type3A_26 : vector<16xf32>
      tpu.vector_store_idx %arg11[%broadcast_in_dim3A_105], %mul3A_106 {add = true} : memref<16xf32, #tpu.memory_space<vmem>>[vector<16xi32>], vector<16xf32>,
      %add3A_107 = arith.constant 11 : i32
      %add3A_108 = vector.broadcast %add3A_107 : i32 to vector<16xi32>
      %add3A_109 = arith.addi %mul3A_29, %add3A_108 : vector<16xi32>
      %gather3A_110 = tpu.vector_load_idx %arg10[%iota3A, %add3A_109] : memref<16x128xf32, #tpu.memory_space<vmem>>[vector<16xi32>, vector<16xi32>], vector<16xf32>,
      %broadcast_in_dim3A_111 = arith.constant 11 : i32
      %broadcast_in_dim3A_112 = vector.broadcast %broadcast_in_dim3A_111 : i32 to vector<16xi32>
      %mul3A_113 = arith.mulf %gather3A_110, %convert_element_type3A_26 : vector<16xf32>
      tpu.vector_store_idx %arg11[%broadcast_in_dim3A_112], %mul3A_113 {add = true} : memref<16xf32, #tpu.memory_space<vmem>>[vector<16xi32>], vector<16xf32>,
      %add3A_114 = arith.constant 12 : i32
      %add3A_115 = vector.broadcast %add3A_114 : i32 to vector<16xi32>
      %add3A_116 = arith.addi %mul3A_29, %add3A_115 : vector<16xi32>
      %gather3A_117 = tpu.vector_load_idx %arg10[%iota3A, %add3A_116] : memref<16x128xf32, #tpu.memory_space<vmem>>[vector<16xi32>, vector<16xi32>], vector<16xf32>,
      %broadcast_in_dim3A_118 = arith.constant 12 : i32
      %broadcast_in_dim3A_119 = vector.broadcast %broadcast_in_dim3A_118 : i32 to vector<16xi32>
      %mul3A_120 = arith.mulf %gather3A_117, %convert_element_type3A_26 : vector<16xf32>
      tpu.vector_store_idx %arg11[%broadcast_in_dim3A_119], %mul3A_120 {add = true} : memref<16xf32, #tpu.memory_space<vmem>>[vector<16xi32>], vector<16xf32>,
      %add3A_121 = arith.constant 13 : i32
      %add3A_122 = vector.broadcast %add3A_121 : i32 to vector<16xi32>
      %add3A_123 = arith.addi %mul3A_29, %add3A_122 : vector<16xi32>
      %gather3A_124 = tpu.vector_load_idx %arg10[%iota3A, %add3A_123] : memref<16x128xf32, #tpu.memory_space<vmem>>[vector<16xi32>, vector<16xi32>], vector<16xf32>,
      %broadcast_in_dim3A_125 = arith.constant 13 : i32
      %broadcast_in_dim3A_126 = vector.broadcast %broadcast_in_dim3A_125 : i32 to vector<16xi32>
      %mul3A_127 = arith.mulf %gather3A_124, %convert_element_type3A_26 : vector<16xf32>
      tpu.vector_store_idx %arg11[%broadcast_in_dim3A_126], %mul3A_127 {add = true} : memref<16xf32, #tpu.memory_space<vmem>>[vector<16xi32>], vector<16xf32>,
      %add3A_128 = arith.constant 14 : i32
      %add3A_129 = vector.broadcast %add3A_128 : i32 to vector<16xi32>
      %add3A_130 = arith.addi %mul3A_29, %add3A_129 : vector<16xi32>
      %gather3A_131 = tpu.vector_load_idx %arg10[%iota3A, %add3A_130] : memref<16x128xf32, #tpu.memory_space<vmem>>[vector<16xi32>, vector<16xi32>], vector<16xf32>,
      %broadcast_in_dim3A_132 = arith.constant 14 : i32
      %broadcast_in_dim3A_133 = vector.broadcast %broadcast_in_dim3A_132 : i32 to vector<16xi32>
      %mul3A_134 = arith.mulf %gather3A_131, %convert_element_type3A_26 : vector<16xf32>
      tpu.vector_store_idx %arg11[%broadcast_in_dim3A_133], %mul3A_134 {add = true} : memref<16xf32, #tpu.memory_space<vmem>>[vector<16xi32>], vector<16xf32>,
      %add3A_135 = arith.constant 15 : i32
      %add3A_136 = vector.broadcast %add3A_135 : i32 to vector<16xi32>
      %add3A_137 = arith.addi %mul3A_29, %add3A_136 : vector<16xi32>
      %gather3A_138 = tpu.vector_load_idx %arg10[%iota3A, %add3A_137] : memref<16x128xf32, #tpu.memory_space<vmem>>[vector<16xi32>, vector<16xi32>], vector<16xf32>,
      %broadcast_in_dim3A_139 = arith.constant 15 : i32
      %broadcast_in_dim3A_140 = vector.broadcast %broadcast_in_dim3A_139 : i32 to vector<16xi32>
      %mul3A_141 = arith.mulf %gather3A_138, %convert_element_type3A_26 : vector<16xf32>
      tpu.vector_store_idx %arg11[%broadcast_in_dim3A_140], %mul3A_141 {add = true} : memref<16xf32, #tpu.memory_space<vmem>>[vector<16xi32>], vector<16xf32>,
      "tpu.region"() ({
        %run_scoped3A = tpu.sem_alloc : memref<!tpu.dma_semaphore, #tpu.memory_space<semaphore_mem>>
        %dma_start3A_142 = arith.constant 0 : i32
        %dma_start3A_143 = tpu.memref_slice %arg8[%arg1, %dma_start3A_142] : memref<16x128xf32, #tpu.memory_space<hbm>> -> memref<1x16xf32, #tpu.memory_space<hbm>>
        %dma_start3A_144 = tpu.memref_squeeze %dma_start3A_143 : memref<1x16xf32, #tpu.memory_space<hbm>> -> memref<16xf32, #tpu.memory_space<hbm>>
        %dma_start3A_145 = arith.constant 0 : i32
        %dma_start3A_146 = tpu.memref_slice %arg8[%arg1, %dma_start3A_145] : memref<16x128xf32, #tpu.memory_space<hbm>> -> memref<1x16xf32, #tpu.memory_space<hbm>>
        %dma_start3A_147 = tpu.memref_squeeze %dma_start3A_146 : memref<1x16xf32, #tpu.memory_space<hbm>> -> memref<16xf32, #tpu.memory_space<hbm>>
        tpu.enqueue_dma source(%arg11 : memref<16xf32, #tpu.memory_space<vmem>>) target(%dma_start3A_147 : memref<16xf32, #tpu.memory_space<hbm>>) target_semaphore(%run_scoped3A : memref<!tpu.dma_semaphore, #tpu.memory_space<semaphore_mem>>)
        %dma_wait3A_148 = arith.constant 0 : i32
        %dma_wait3A_149 = tpu.memref_slice %arg8[%arg1, %dma_wait3A_148] : memref<16x128xf32, #tpu.memory_space<hbm>> -> memref<1x16xf32, #tpu.memory_space<hbm>>
        %dma_wait3A_150 = tpu.memref_squeeze %dma_wait3A_149 : memref<1x16xf32, #tpu.memory_space<hbm>> -> memref<16xf32, #tpu.memory_space<hbm>>
        %dma_wait3A_151 = arith.constant 0 : i32
        %dma_wait3A_152 = tpu.memref_slice %arg8[%arg1, %dma_wait3A_151] : memref<16x128xf32, #tpu.memory_space<hbm>> -> memref<1x16xf32, #tpu.memory_space<hbm>>
        %dma_wait3A_153 = tpu.memref_squeeze %dma_wait3A_152 : memref<1x16xf32, #tpu.memory_space<hbm>> -> memref<16xf32, #tpu.memory_space<hbm>>
        tpu.wait_dma2 semaphore(%run_scoped3A : memref<!tpu.dma_semaphore, #tpu.memory_space<semaphore_mem>>) src(%arg11 : memref<16xf32, #tpu.memory_space<vmem>>) dst(%dma_wait3A_153 : memref<16xf32, #tpu.memory_space<hbm>>)
        tpu.yield
      }) : () -> ()
    } else {
    }
    %barrier3A = arith.constant 0 : index
    tpu.barrier barrier_id(%barrier3A)
    %eq3A_2 = arith.constant 0 : i32
    %eq3A_3 = arith.cmpi eq, %arg0, %eq3A_2 : i32
    %eq3A_4 = arith.constant 0 : i32
    %eq3A_5 = arith.cmpi eq, %arg1, %eq3A_4 : i32
    %and3A = arith.andi %eq3A_3, %eq3A_5 : i1
    %convert_element_type3A_6 = arith.extui %and3A : i1 to i32
    %cond3A_7 = arith.constant 0 : i32
    %cond3A_8 = arith.cmpi ne, %convert_element_type3A_6, %cond3A_7 : i32
    scf.if %cond3A_8 {
      %iota3A = tpu.iota {dimensions = array<i32: 0>} : vector<16xi32>
      %dma_start3A = arith.constant 0 : i32
      %dma_start3A_9 = arith.constant 0 : i32
      %dma_start3A_10 = tpu.memref_slice %arg8[%dma_start3A, %dma_start3A_9] : memref<16x128xf32, #tpu.memory_space<hbm>> -> memref<16x128xf32, #tpu.memory_space<hbm>>
      tpu.enqueue_indirect_dma source(%dma_start3A_10 : memref<16x128xf32, #tpu.memory_space<hbm>>) target(%arg14 : memref<16x128xf32, #tpu.memory_space<vmem>>) offsets(%iota3A : vector<16xi32>) semaphore(%arg15 : memref<!tpu.dma_semaphore, #tpu.memory_space<semaphore_mem>>)
      %dma_wait3A = arith.constant 0 : i32
      %dma_wait3A_11 = arith.constant 0 : i32
      %dma_wait3A_12 = tpu.memref_slice %arg8[%dma_wait3A, %dma_wait3A_11] : memref<16x128xf32, #tpu.memory_space<hbm>> -> memref<16x128xf32, #tpu.memory_space<hbm>>
      tpu.wait_indirect_dma semaphore(%arg15 : memref<!tpu.dma_semaphore, #tpu.memory_space<semaphore_mem>>) src(%dma_wait3A_12 : memref<16x128xf32, #tpu.memory_space<hbm>>) dst(%arg14 : memref<16x128xf32, #tpu.memory_space<vmem>>)
      %iota3A_13 = tpu.iota {dimensions = array<i32: 0>} : vector<16xi32>
      %broadcast_in_dim3A = arith.constant 0 : i32
      %broadcast_in_dim3A_14 = vector.broadcast %broadcast_in_dim3A : i32 to vector<16xi32>
      %gather3A = tpu.vector_load_idx %arg14[%broadcast_in_dim3A_14, %iota3A_13] : memref<16x128xf32, #tpu.memory_space<vmem>>[vector<16xi32>, vector<16xi32>], vector<16xf32>,
      %broadcast_in_dim3A_15 = arith.constant 1 : i32
      %broadcast_in_dim3A_16 = vector.broadcast %broadcast_in_dim3A_15 : i32 to vector<16xi32>
      %gather3A_17 = tpu.vector_load_idx %arg14[%broadcast_in_dim3A_16, %iota3A_13] : memref<16x128xf32, #tpu.memory_space<vmem>>[vector<16xi32>, vector<16xi32>], vector<16xf32>,
      %broadcast_in_dim3A_18 = arith.constant 2 : i32
      %broadcast_in_dim3A_19 = vector.broadcast %broadcast_in_dim3A_18 : i32 to vector<16xi32>
      %gather3A_20 = tpu.vector_load_idx %arg14[%broadcast_in_dim3A_19, %iota3A_13] : memref<16x128xf32, #tpu.memory_space<vmem>>[vector<16xi32>, vector<16xi32>], vector<16xf32>,
      %broadcast_in_dim3A_21 = arith.constant 3 : i32
      %broadcast_in_dim3A_22 = vector.broadcast %broadcast_in_dim3A_21 : i32 to vector<16xi32>
      %gather3A_23 = tpu.vector_load_idx %arg14[%broadcast_in_dim3A_22, %iota3A_13] : memref<16x128xf32, #tpu.memory_space<vmem>>[vector<16xi32>, vector<16xi32>], vector<16xf32>,
      %broadcast_in_dim3A_24 = arith.constant 4 : i32
      %broadcast_in_dim3A_25 = vector.broadcast %broadcast_in_dim3A_24 : i32 to vector<16xi32>
      %gather3A_26 = tpu.vector_load_idx %arg14[%broadcast_in_dim3A_25, %iota3A_13] : memref<16x128xf32, #tpu.memory_space<vmem>>[vector<16xi32>, vector<16xi32>], vector<16xf32>,
      %broadcast_in_dim3A_27 = arith.constant 5 : i32
      %broadcast_in_dim3A_28 = vector.broadcast %broadcast_in_dim3A_27 : i32 to vector<16xi32>
      %gather3A_29 = tpu.vector_load_idx %arg14[%broadcast_in_dim3A_28, %iota3A_13] : memref<16x128xf32, #tpu.memory_space<vmem>>[vector<16xi32>, vector<16xi32>], vector<16xf32>,
      %broadcast_in_dim3A_30 = arith.constant 6 : i32
      %broadcast_in_dim3A_31 = vector.broadcast %broadcast_in_dim3A_30 : i32 to vector<16xi32>
      %gather3A_32 = tpu.vector_load_idx %arg14[%broadcast_in_dim3A_31, %iota3A_13] : memref<16x128xf32, #tpu.memory_space<vmem>>[vector<16xi32>, vector<16xi32>], vector<16xf32>,
      %broadcast_in_dim3A_33 = arith.constant 7 : i32
      %broadcast_in_dim3A_34 = vector.broadcast %broadcast_in_dim3A_33 : i32 to vector<16xi32>
      %gather3A_35 = tpu.vector_load_idx %arg14[%broadcast_in_dim3A_34, %iota3A_13] : memref<16x128xf32, #tpu.memory_space<vmem>>[vector<16xi32>, vector<16xi32>], vector<16xf32>,
      %broadcast_in_dim3A_36 = arith.constant 8 : i32
      %broadcast_in_dim3A_37 = vector.broadcast %broadcast_in_dim3A_36 : i32 to vector<16xi32>
      %gather3A_38 = tpu.vector_load_idx %arg14[%broadcast_in_dim3A_37, %iota3A_13] : memref<16x128xf32, #tpu.memory_space<vmem>>[vector<16xi32>, vector<16xi32>], vector<16xf32>,
      %broadcast_in_dim3A_39 = arith.constant 9 : i32
      %broadcast_in_dim3A_40 = vector.broadcast %broadcast_in_dim3A_39 : i32 to vector<16xi32>
      %gather3A_41 = tpu.vector_load_idx %arg14[%broadcast_in_dim3A_40, %iota3A_13] : memref<16x128xf32, #tpu.memory_space<vmem>>[vector<16xi32>, vector<16xi32>], vector<16xf32>,
      %broadcast_in_dim3A_42 = arith.constant 10 : i32
      %broadcast_in_dim3A_43 = vector.broadcast %broadcast_in_dim3A_42 : i32 to vector<16xi32>
      %gather3A_44 = tpu.vector_load_idx %arg14[%broadcast_in_dim3A_43, %iota3A_13] : memref<16x128xf32, #tpu.memory_space<vmem>>[vector<16xi32>, vector<16xi32>], vector<16xf32>,
      %broadcast_in_dim3A_45 = arith.constant 11 : i32
      %broadcast_in_dim3A_46 = vector.broadcast %broadcast_in_dim3A_45 : i32 to vector<16xi32>
      %gather3A_47 = tpu.vector_load_idx %arg14[%broadcast_in_dim3A_46, %iota3A_13] : memref<16x128xf32, #tpu.memory_space<vmem>>[vector<16xi32>, vector<16xi32>], vector<16xf32>,
      %broadcast_in_dim3A_48 = arith.constant 12 : i32
      %broadcast_in_dim3A_49 = vector.broadcast %broadcast_in_dim3A_48 : i32 to vector<16xi32>
      %gather3A_50 = tpu.vector_load_idx %arg14[%broadcast_in_dim3A_49, %iota3A_13] : memref<16x128xf32, #tpu.memory_space<vmem>>[vector<16xi32>, vector<16xi32>], vector<16xf32>,
      %broadcast_in_dim3A_51 = arith.constant 13 : i32
      %broadcast_in_dim3A_52 = vector.broadcast %broadcast_in_dim3A_51 : i32 to vector<16xi32>
      %gather3A_53 = tpu.vector_load_idx %arg14[%broadcast_in_dim3A_52, %iota3A_13] : memref<16x128xf32, #tpu.memory_space<vmem>>[vector<16xi32>, vector<16xi32>], vector<16xf32>,
      %broadcast_in_dim3A_54 = arith.constant 14 : i32
      %broadcast_in_dim3A_55 = vector.broadcast %broadcast_in_dim3A_54 : i32 to vector<16xi32>
      %gather3A_56 = tpu.vector_load_idx %arg14[%broadcast_in_dim3A_55, %iota3A_13] : memref<16x128xf32, #tpu.memory_space<vmem>>[vector<16xi32>, vector<16xi32>], vector<16xf32>,
      %broadcast_in_dim3A_57 = arith.constant 15 : i32
      %broadcast_in_dim3A_58 = vector.broadcast %broadcast_in_dim3A_57 : i32 to vector<16xi32>
      %gather3A_59 = tpu.vector_load_idx %arg14[%broadcast_in_dim3A_58, %iota3A_13] : memref<16x128xf32, #tpu.memory_space<vmem>>[vector<16xi32>, vector<16xi32>], vector<16xf32>,
      %add3A = arith.addf %gather3A, %gather3A_17 : vector<16xf32>
      %add3A_60 = arith.addf %gather3A_20, %gather3A_23 : vector<16xf32>
      %add3A_61 = arith.addf %gather3A_26, %gather3A_29 : vector<16xf32>
      %add3A_62 = arith.addf %gather3A_32, %gather3A_35 : vector<16xf32>
      %add3A_63 = arith.addf %gather3A_38, %gather3A_41 : vector<16xf32>
      %add3A_64 = arith.addf %gather3A_44, %gather3A_47 : vector<16xf32>
      %add3A_65 = arith.addf %gather3A_50, %gather3A_53 : vector<16xf32>
      %add3A_66 = arith.addf %gather3A_56, %gather3A_59 : vector<16xf32>
      %add3A_67 = arith.addf %add3A, %add3A_60 : vector<16xf32>
      %add3A_68 = arith.addf %add3A_61, %add3A_62 : vector<16xf32>
      %add3A_69 = arith.addf %add3A_63, %add3A_64 : vector<16xf32>
      %add3A_70 = arith.addf %add3A_65, %add3A_66 : vector<16xf32>
      %add3A_71 = arith.addf %add3A_67, %add3A_68 : vector<16xf32>
      %add3A_72 = arith.addf %add3A_69, %add3A_70 : vector<16xf32>
      %add3A_73 = arith.addf %add3A_71, %add3A_72 : vector<16xf32>
      %swap3A = arith.constant 0 : index
      %swap3A_74 = tpu.vector_load %arg11[%swap3A] {strides = array<i32>} : memref<16xf32, #tpu.memory_space<vmem>>, vector<16xf32>,
      tpu.vector_store %arg11[%swap3A], %add3A_73 {strides = array<i32>} : memref<16xf32, #tpu.memory_space<vmem>>, vector<16xf32>,
      "tpu.region"() ({
        %run_scoped3A = tpu.sem_alloc : memref<!tpu.dma_semaphore, #tpu.memory_space<semaphore_mem>>
        tpu.enqueue_dma source(%arg11 : memref<16xf32, #tpu.memory_space<vmem>>) target(%arg6 : memref<16xf32, #tpu.memory_space<hbm>>) target_semaphore(%run_scoped3A : memref<!tpu.dma_semaphore, #tpu.memory_space<semaphore_mem>>)
        tpu.wait_dma2 semaphore(%run_scoped3A : memref<!tpu.dma_semaphore, #tpu.memory_space<semaphore_mem>>) src(%arg11 : memref<16xf32, #tpu.memory_space<vmem>>) dst(%arg6 : memref<16xf32, #tpu.memory_space<hbm>>)
        tpu.yield
      }) : () -> ()
      "tpu.region"() ({
        %run_scoped3A = tpu.sem_alloc : memref<!tpu.dma_semaphore, #tpu.memory_space<semaphore_mem>>
        tpu.enqueue_dma source(%arg4 : memref<16xf32, #tpu.memory_space<hbm>>) target(%arg12 : memref<16xf32, #tpu.memory_space<vmem>>) target_semaphore(%run_scoped3A : memref<!tpu.dma_semaphore, #tpu.memory_space<semaphore_mem>>)
        tpu.wait_dma2 semaphore(%run_scoped3A : memref<!tpu.dma_semaphore, #tpu.memory_space<semaphore_mem>>) src(%arg4 : memref<16xf32, #tpu.memory_space<hbm>>) dst(%arg12 : memref<16xf32, #tpu.memory_space<vmem>>)
        tpu.yield
      }) : () -> ()
      "tpu.region"() ({
        %run_scoped3A = tpu.sem_alloc : memref<!tpu.dma_semaphore, #tpu.memory_space<semaphore_mem>>
        tpu.enqueue_dma source(%arg5 : memref<16xf32, #tpu.memory_space<hbm>>) target(%arg13 : memref<16xf32, #tpu.memory_space<vmem>>) target_semaphore(%run_scoped3A : memref<!tpu.dma_semaphore, #tpu.memory_space<semaphore_mem>>)
        tpu.wait_dma2 semaphore(%run_scoped3A : memref<!tpu.dma_semaphore, #tpu.memory_space<semaphore_mem>>) src(%arg5 : memref<16xf32, #tpu.memory_space<hbm>>) dst(%arg13 : memref<16xf32, #tpu.memory_space<vmem>>)
        tpu.yield
      }) : () -> ()
      %get3A = arith.constant 0 : index
      %get3A_75 = tpu.vector_load %arg12[%get3A] {strides = array<i32>} : memref<16xf32, #tpu.memory_space<vmem>>, vector<16xf32>,
      %mul3A = arith.mulf %add3A_73, %get3A_75 : vector<16xf32>
      %reduce_sum3A = arith.constant true
      %reduce_sum3A_76 = vector.broadcast %reduce_sum3A : i1 to vector<16xi1>
      %reduce_sum3A_77 = tpu.scan <sum>, %mul3A masked %reduce_sum3A_76 : vector<16xf32>, vector<16xi1> -> vector<16xf32>
      %reduce_sum3A_78 = vector.extract %reduce_sum3A_77[15] : f32 from vector<16xf32>
      %broadcast_in_dim3A_79 = vector.broadcast %reduce_sum3A_78 : f32 to vector<16xf32>
      %get3A_80 = arith.constant 0 : index
      %get3A_81 = tpu.vector_load %arg13[%get3A_80] {strides = array<i32>} : memref<16xf32, #tpu.memory_space<vmem>>, vector<16xf32>,
      %add3A_82 = arith.addf %broadcast_in_dim3A_79, %get3A_81 : vector<16xf32>
      %neg3A = arith.constant 0.000000e+00 : f32
      %neg3A_83 = vector.broadcast %neg3A : f32 to vector<16xf32>
      %neg3A_84 = arith.subf %neg3A_83, %add3A_82 : vector<16xf32>
      %exp3A = math.exp %neg3A_84 : vector<16xf32>
      %add3A_85 = arith.constant 1.000000e+00 : f32
      %add3A_86 = vector.broadcast %add3A_85 : f32 to vector<16xf32>
      %add3A_87 = arith.addf %add3A_86, %exp3A : vector<16xf32>
      %div3A = arith.constant 1.000000e+00 : f32
      %div3A_88 = vector.broadcast %div3A : f32 to vector<16xf32>
      %div3A_89 = arith.divf %div3A_88, %add3A_87 : vector<16xf32>
      %swap3A_90 = arith.constant 0 : index
      %swap3A_91 = tpu.vector_load %arg11[%swap3A_90] {strides = array<i32>} : memref<16xf32, #tpu.memory_space<vmem>>, vector<16xf32>,
      tpu.vector_store %arg11[%swap3A_90], %div3A_89 {strides = array<i32>} : memref<16xf32, #tpu.memory_space<vmem>>, vector<16xf32>,
      "tpu.region"() ({
        %run_scoped3A = tpu.sem_alloc : memref<!tpu.dma_semaphore, #tpu.memory_space<semaphore_mem>>
        tpu.enqueue_dma source(%arg11 : memref<16xf32, #tpu.memory_space<vmem>>) target(%arg7 : memref<16xf32, #tpu.memory_space<hbm>>) target_semaphore(%run_scoped3A : memref<!tpu.dma_semaphore, #tpu.memory_space<semaphore_mem>>)
        tpu.wait_dma2 semaphore(%run_scoped3A : memref<!tpu.dma_semaphore, #tpu.memory_space<semaphore_mem>>) src(%arg11 : memref<16xf32, #tpu.memory_space<vmem>>) dst(%arg7 : memref<16xf32, #tpu.memory_space<hbm>>)
        tpu.yield
      }) : () -> ()
    } else {
    }
    return
  }
}

</mosaic_0001>

<sc_bundles>
// kernel: kernel.3.cloned.1.call-start
scs
__scs_entry_jumppad:
0x0: {  	(pc) =	sbr.rel $0x88, $3  }
0x1: {  	(tag) =	ssettag $0x0;
	lr =	simm.s32 $0x1  }
0x2: {  	[smem:$0x3F9C] =	sst lr;
	_ =	strace $0xD0000000  }
0x3: {  	_ = 	snop  }
0x4: {  	_ = 	snop  }
0x5: {  	_ = 	snop  }
0x6: {  	_ = 	snop  }
0x7: {  	_ = 	snop  }
__scs_overlays_trampoline_lowered:
0x8: {  	[smem:$0x3FAB] =	sst s0  }
0x9: {  	[smem:$0x3FAC] =	sst s1  }
0xa: {  	[smem:$0x3FAD] =	sst s2  }
0xb: {  	[smem:$0x3FAE] =	sst s3  }
0xc: {  	[smem:$0x3FAF] =	sst s4  }
0xd: {  	[smem:$0x3FB0] =	sst s5  }
0xe: {  	[smem:$0x3FB1] =	sst s6  }
0xf: {  	[smem:$0x3FB2] =	sst s7  }
0x10: {  	[smem:$0x3FB3] =	sst s8  }
0x11: {  	[smem:$0x3FB4] =	sst s9;
	s0 =	simm.s32 @!p0 $0x0  }
0x12: {  	s1 =	sld [smem:$0x3F9A];
	s0 =	simm.s32 @p0 $0x1  }
0x13: {  	[smem:$0x3FB5] =	sst s0;
	s0 =	simm.s32 @!p1 $0x0  }
0x14: {  	s2 =	sld [smem:$0x3F99];
	s0 =	simm.s32 @p1 $0x1  }
0x15: {  	[smem:$0x3FB6] =	sst s0;
	s0 =	simm.s32 @!p2 $0x0  }
0x16: {  	s3 =	sld [smem:$0x3FDB];
	s0 =	simm.s32 @p2 $0x1  }
0x17: {  	s4 =	simm.s32 $0x1BF5;
	[smem:$0x3FB8] =	sst s0  }
0x18: {  	s0 =	sld [smem:$0x3F9B];
	_ =	swait.ge [sflag:s4], $0x0  }
0x19: {  	s7 =	sld [smem:$0x3F9C]  }
0x1a: {  	s8 =	sadd.s32 $0xFFFFE003, lr  }
0x1b: {  	s9 =	sadd.s32 $0xFFFFFEF7, lr;
	s5 =	simm.s32 $0xFFFFFFFF;
	p2 =	slt.u32 s8, $0xFFFFF086  }
0x1c: {  	p1 =	slt.u32 s9, $0xF7A;
	s5 =	simm.s32 @!p2 $0x0  }
0x1d: {  	s5 =	simm.s32 @p1 $0x1;
	p0 =	seq.s32 s7, s2  }
0x1e: {  	s7 =	smul.u32 @!p0 $0xF7A, s2;
	p2 =	seq.s32 @!p0 s5, $0x0  }
0x1f: {  	s9 =	smul.u32 $0xF7A, s1;
	s8 =	simm.s32 @!p0 $0x1BF5;
	p2 =	por !p2, p0  }
0x20: {  	[sflag:s8] =	ssyncset.s32 @!p0 $0xFFFFF086;
	s6 =	sadd.s32 @!p0 s3, s7;
	s7 =	simm.s32 @!p0 $0x108  }
0x21: {  	s3 =	sadd.s32 s3, s9;
	s6 =	sadd.s32 @!p0 $0x88, s6;
	s7 =	simm.s32 @p2 $0x1082  }
0x22: {  	[simem:s7], [sflag:s8] =	dma.local @!p0 [hbm:s6], $0xF7A  }
0x23: {  	s9 =	sor.u32 $0xD0000000, s2;
	s6 =	simm.s32 $0x108;
	_ =	swait.ge @!p0 [sflag:s8], $0x0  }
0x24: {  	s3 =	sadd.s32 $0x88, s3;
	s6 =	simm.s32 @!p1 $0x1082;
	[sflag:s4] =	ssyncset.s32 $0xFFFFF086  }
0x25: {  	[simem:s6], [sflag:s4] =	dma.local [hbm:s3], $0xF7A  }
0x26: {  	[smem:$0x3F9C] =	sst s1;
	(tag) =	ssettag s2;
	_ =	strace s9  }
0x27: {  	s1 =	sld [smem:$0x3FAC]  }
0x28: {  	s2 =	sld [smem:$0x3FAD]  }
0x29: {  	s4 =	sld [smem:$0x3FAF]  }
0x2a: {  	p0 =	seq.s32 s5, $0x0;
	s5 =	sld [smem:$0x3FB0]  }
0x2b: {  	s6 =	sld [smem:$0x3FB1]  }
0x2c: {  	s7 =	sld [smem:$0x3FB2]  }
0x2d: {  	s3 =	simm.s32 $0x108;
	s8 =	sld [smem:$0x3FB3]  }
0x2e: {  	s3 =	simm.s32 @!p0 $0x1082;
	s9 =	sld [smem:$0x3FB4]  }
0x2f: {  	lr =	sadd.s32 s0, s3;
	s0 =	sld [smem:$0x3FAB]  }
0x30: {  	s3 =	sld [smem:$0x3FAE]  }
0x31: {  	[smem:$0x3FB7] =	sst s10  }
0x32: {  	s10 =	sld [smem:$0x3FB5];
	_ =	sdelay $0x3  }
0x33: {  	p0 =	seq.s32 s10, $0x1;
	s10 =	sld [smem:$0x3FB7];
	_ =	sdelay $0x3  }
0x34: {  	[smem:$0x3FB7] =	sst s10  }
0x35: {  	s10 =	sld [smem:$0x3FB6];
	_ =	sdelay $0x3  }
0x36: {  	p1 =	seq.s32 s10, $0x1;
	s10 =	sld [smem:$0x3FB7];
	_ =	sdelay $0x3  }
0x37: {  	[smem:$0x3FB7] =	sst s10  }
0x38: {  	s10 =	sld [smem:$0x3FB8]  }
0x39: {  	_ = 	snop;
	(pc) =	sbr.ind lr, $3  }
0x3a: {  	_ = 	snop  }
0x3b: {  	_ = 	snop  }
0x3c: {  	p2 =	seq.s32 s10, $0x1;
	s10 =	sld [smem:$0x3FB7]  }
0x3d: {  	_ =	shalt  }
0x3e: {  	_ =	shalt  }
0x3f: {  	_ =	shalt  }
0x40: {  	_ =	shalt  }
0x41: {  	_ =	shalt  }
0x42: {  	_ =	shalt  }
0x43: {  	_ =	shalt  }
0x44: {  	_ =	shalt  }
0x45: {  	_ =	shalt  }
0x46: {  	_ =	shalt  }
0x47: {  	_ =	shalt  }
0x48: {  	_ =	shalt  }
0x49: {  	_ =	shalt  }
0x4a: {  	_ =	shalt  }
0x4b: {  	_ =	shalt  }
0x4c: {  	_ =	shalt  }
0x4d: {  	_ =	shalt  }
0x4e: {  	_ =	shalt  }
0x4f: {  	_ =	shalt  }
0x50: {  	_ =	shalt  }
0x51: {  	_ =	shalt  }
0x52: {  	_ =	shalt  }
0x53: {  	_ =	shalt  }
0x54: {  	_ =	shalt  }
0x55: {  	_ =	shalt  }
0x56: {  	_ =	shalt  }
0x57: {  	_ =	shalt  }
0x58: {  	_ =	shalt  }
0x59: {  	_ =	shalt  }
0x5a: {  	_ =	shalt  }
0x5b: {  	_ =	shalt  }
0x5c: {  	_ =	shalt  }
0x5d: {  	_ =	shalt  }
0x5e: {  	_ =	shalt  }
0x5f: {  	_ =	shalt  }
0x60: {  	_ =	shalt  }
0x61: {  	_ =	shalt  }
0x62: {  	_ =	shalt  }
0x63: {  	_ =	shalt  }
0x64: {  	_ =	shalt  }
0x65: {  	_ =	shalt  }
0x66: {  	_ =	shalt  }
0x67: {  	_ =	shalt  }
0x68: {  	_ =	shalt  }
0x69: {  	_ =	shalt  }
0x6a: {  	_ =	shalt  }
0x6b: {  	_ =	shalt  }
0x6c: {  	_ =	shalt  }
0x6d: {  	_ =	shalt  }
0x6e: {  	_ =	shalt  }
0x6f: {  	_ =	shalt  }
0x70: {  	_ =	shalt  }
0x71: {  	_ =	shalt  }
0x72: {  	_ =	shalt  }
0x73: {  	_ =	shalt  }
0x74: {  	_ =	shalt  }
0x75: {  	_ =	shalt  }
0x76: {  	_ =	shalt  }
0x77: {  	_ =	shalt  }
0x78: {  	_ =	shalt  }
0x79: {  	_ =	shalt  }
0x7a: {  	_ =	shalt  }
0x7b: {  	_ =	shalt  }
0x7c: {  	_ =	shalt  }
0x7d: {  	_ =	shalt  }
0x7e: {  	_ =	shalt  }
0x7f: {  	_ =	shalt  }
0x80: {  	_ =	shalt  }
0x81: {  	_ =	shalt  }
0x82: {  	_ =	shalt  }
0x83: {  	_ =	shalt  }
0x84: {  	_ =	shalt  }
0x85: {  	_ =	shalt  }
0x86: {  	_ =	shalt  }
0x87: {  	_ =	shalt  }
.Lfunc_end0:
.L_simem_size_0:
called_computation_lowered:
.L_overlay_start_0:
0x88: {  	s2 =	sld [smem:$0x3FD9]  }
0x89: {  	s3 =	sld [smem:$0x3FFE];
	_ =	sdelay $0x1  }
0x8a: {  	s1 =	srdreg.scid  }
0x8b: {  	s0 =	sand.u32 $0x1, s1  }
0x8c: {  	s14 =	sshll.u32 s0, $0xA;
	s2 =	sadd.s32 s3, s2  }
0x8d: {  	s2 =	sadd.s32 s2, s14  }
0x8e: {  	[smem:$0x3FC3] =	sst s2  }
0x8f: {  	_ = 	snop  }
0x90: {  	s2 =	sld [smem:$0x3FD0];
	_ =	sdelay $0x2  }
0x91: {  	s4 =	simm.s32 $0xA;
	s5 =	simm.s32 $0x10;
	s15 =	sld [smem:$0x3FC6]  }
0x92: {  	[smem:s5], [sflag:s4] =	dma.local [hbm:s2], $0x1  }
0x93: {  	_ =	swait.eq [sflag:s4], $0x1  }
0x94: {  	[sflag:s4] =	ssyncset.done $0x0  }
0x95: {  	s16 =	sld [smem:$0x10];
	[sflag:s4] =	ssyncadd.s32 $0xFFFFFFFF  }
0x96: {  	s17 =	sld [smem:$0x12];
	(tm) =	ssettm $0x1  }
0x97: {  	s18 =	sld [smem:$0x3FFB];
	_ =	sdelay $0x3  }
0x98: {  	_ =	strace s18  }
0x99: {  	s5 =	sld [smem:$0x3FFC];
	_ =	sdelay $0x3  }
0x9a: {  	_ =	strace s5  }
0x9b: {  	s5 =	sld [smem:$0x3FFD];
	_ =	sdelay $0x3  }
0x9c: {  	_ =	strace s5  }
0x9d: {  	_ =	strace $0x8FFFFFFF  }
0x9e: {  	s19 =	sld [smem:$0x3FDB];
	_ =	sdelay $0x1  }
0x9f: {  	s6 =	simm.s32 $_scs_section_size  }
0xa0: {  	s7 =	simm.s32 $_size__tile_overlayer_lowered;
	s8 =	simm.s32 $_tile_overlayer_lowered  }
0xa1: {  	s22 =	simm.s32 $0x1BFF;
	s21 =	sshll.u32 s8, $0x1;
	s5 =	sadd.s32 s6, s19  }
0xa2: {  	s9 =	simm.s32 $0x0;
	s20 =	sshll.u32 s7, $0x1;
	s7 =	sadd.s32 s21, s5  }
0xa3: {  	[timem:s9], [sflag:s22] =	dma.local [hbm:s7], s20  }
0xa4: {  	_ =	swait.ge [sflag:s22], s20  }
0xa5: {  	s6 =	ssub.s32 $0x0, s20;
	[sflag:s22] =	ssyncset.done $0x0  }
0xa6: {  	[sflag:s22] =	ssyncadd.s32 s6;
	_ =	sdelay $0x1  }
0xa7: {  	s23 =	simm.s32 $0x1B8B  }
0xa8: {  	_ =	swait.ge [sflag:s23], $0x1  }
0xa9: {  	[sflag:s23] =	ssyncset.done $0x0  }
0xaa: {  	s25 =	simm.s32 $0x1B8E;
	s24 =	sld [smem:$0x3FFE];
	[sflag:s23] =	ssyncadd.s32 $0xFFFFFFFF  }
0xab: {  	s26 =	simm.s32 $execute0_lowered;
	[smem:$0x3FD2] =	sst s25  }
0xac: {  	s7 =	sshll.u32 s26, $0x1;
	_ =	strace $0x80000046;
	[dreg:$0x1] =	wrdreg $0xFFFFFFFF  }
0xad: {  	s28 =	simm.s32 $_size_execute0_lowered;
	s5 =	sadd.s32 s5, s7;
	[dreg:$0x0] =	wrdreg $0x0  }
0xae: {  	s7 =	sshll.u32 s28, $0x1;
	[dreg:$0x2] =	wrdreg s5  }
0xaf: {  	[dreg:$0x3] =	wrdreg s7  }
0xb0: {  	[dreg:$0x4] =	wrdreg $0xC0  }
0xb1: {  	_ =	task [dreg:s9], $0x5FFFF  }
0xb2: {  	[dreg:$0x1] =	wrdreg $0xFFFFFFFF  }
0xb3: {  	[dreg:$0x0] =	wrdreg $0x60  }
0xb4: {  	[dreg:$0x2] =	wrdreg s24  }
0xb5: {  	[dreg:$0x3] =	wrdreg s15  }
0xb6: {  	[dreg:$0x4] =	wrdreg s17  }
0xb7: {  	[dreg:$0x5] =	wrdreg s16  }
0xb8: {  	[dreg:$0x6] =	wrdreg $0x9  }
0xb9: {  	_ =	task.clear_ibuf [dreg:s9], $0x7FFFF;
	_ =	strace $0x90000046  }
0xba: {  	s29 =	simm.s32 $0x9;
	_ =	strace $0x80000048  }
0xbb: {  	_ =	swait.ge [sflag:s29], $0x1  }
0xbc: {  	[sflag:s29] =	ssyncadd.s32 $0xFFFFFFFF  }
0xbd: {  	_ =	strace $0x90000048  }
0xbe: {  	_ =	sfence  }
0xbf: {  	s30 =	sld [smem:$0x0];
	_ =	sdelay $0x2  }
0xc0: {  	s31 =	sshll.u32 s1, $0xD;
	s1 =	sshrl.u32 s1, $0x2  }
0xc1: {  	s3 =	sand.u32 $0x4000, s31;
	s1 =	sadd.s32 s1, s30  }
0xc2: {  	s0 =	sor.u32 s3, s0;
	s1 =	sshll.u32 s1, $0x11  }
0xc3: {  	s0 =	sor.u32 s1, s0  }
0xc4: {  	s0 =	sadd.s32 $0x8F2B, s0  }
0xc5: {  	[sflag:s0] =	ssyncadd.remote.s32 $0x1  }
0xc6: {  	_ =	sfence.sel $0xFFFF  }
0xc7: {  	[dreg:$0x0] =	wrdreg $0xFFFFFFFF;
	(pc) =	sbr.abs _section_cstart, $3  }
0xc8: {  	[dreg:$0x1] =	wrdreg $0xFFFFFFFF  }
0xc9: {  	_ =	task.clear_ibuf [dreg:s9], $0x2FFFF;
	_ =	strace $0x9FFFFFFF  }
0xca: {  	(tm) =	ssettm $0x7FFFFFFF  }
0xcb: {  	_ =	shalt  }
tec
execute0_lowered:
.L_overlay_start_1:
0x0: {  	(tag) =	ssettag $0x1  }
0x1: {  	v0 =	vlaneseq.u32  }
0x2: {  	v8 =	vimm.s32 $0x2;
	v10 =	vimm.s32 $0x3;
	v12 =	vimm.s32 $0x4  }
0x3: {  	v14 =	vimm.s32 $0x5;
	v16 =	vimm.s32 $0x6;
	v18 =	vimm.s32 $0x7  }
0x4: {  	v20 =	vimm.s32 $0x8;
	v22 =	vimm.s32 $0x9;
	v24 =	vimm.s32 $0xA  }
0x5: {  	s8 =	rddreg [dreg:$0x0];
	v26 =	vimm.s32 $0xB;
	v28 =	vimm.s32 $0xC;
	v30 =	vimm.s32 $0xD  }
0x6: {  	s2 =	rddreg [dreg:$0x2];
	v32 =	vimm.s32 $0xE;
	v34 =	vimm.s32 $0xF;
	v1 =	vmul.u32 $0xFFFFFFFF, v0  }
0x7: {  	s4 =	rddreg [dreg:$0x3];
	v2 =	vmul.u32 $0x80, v0;
	v35 =	vor.u32 $0x80, v0;
	v36 =	vor.u32 $0x100, v0  }
0x8: {  	s0 =	stileid.u32;
	s3 =	rddreg [dreg:$0x4];
	v37 =	vor.u32 $0x180, v0;
	v38 =	vor.u32 $0x200, v0;
	v39 =	vor.u32 $0x280, v0  }
0x9: {  	s5 =	simm.s32 $0x0;
	s6 =	srdreg.scid;
	s14 =	simm.s32 $0x1;
	v40 =	vor.u32 $0x300, v0;
	v41 =	vor.u32 $0x380, v0;
	v42 =	vor.u32 $0x400, v0  }
0xa: {  	s15 =	simm.s32 $0x880;
	s17 =	simm.s32 $0x900;
	s10 =	sshll.u32 s0, $0x4;
	v43 =	vor.u32 $0x480, v0;
	v44 =	vor.u32 $0x500, v0;
	v45 =	vor.u32 $0x580, v0  }
0xb: {  	s18 =	simm.s32 $0x980;
	[smem:$0x7FF] =	sst s5;
	v46 =	vor.u32 $0x600, v0;
	v47 =	vor.u32 $0x680, v0;
	v48 =	vor.u32 $0x700, v0;
	s1 =	ssub.s32 $0xC8, s10  }
0xc: {  	s7 =	sshll.u32 s0, $0x1;
	s12 =	sand.u32 $0x1, s6;
	s6 =	sadd.s32 $0xF42E00, s8;
	v49 =	vor.u32 $0x780, v0;
	v1 =	vadd.s32 s1, v1;
	v5 =	vor.u32 $0x1, v2  }
0xd: {  	s9 =	sadd.s32 s7, s8;
	s11 =	ssub.s32 $0x2, s12;
	s7 =	sadd.s32 $0xC00, s8;
	v7 =	vor.u32 $0x2, v2;
	v9 =	vor.u32 $0x3, v2;
	v11 =	vor.u32 $0x4, v2  }
.Ltmp0:
0xe: {  	s8 =	sadd.s32 $0xE00, s8;
	s16 =	sor.u32 s0, s12;
	v13 =	vor.u32 $0x5, v2;
	v15 =	vor.u32 $0x6, v2;
	v17 =	vor.u32 $0x7, v2;
	(pc) =	sbr.rel .LBB2_1-.Ltmp0, $4  }
0xf: {  	p0 =	sne.s32 s12, $0x0;
	s12 =	simm.s32 $0x2;
	s1 =	rddreg [dreg:$0x1];
	v19 =	vor.u32 $0x8, v2;
	v21 =	vor.u32 $0x9, v2;
	v23 =	vor.u32 $0xA, v2  }
0x10: {  	v25 =	vor.u32 $0xB, v2;
	v27 =	vor.u32 $0xC, v2;
	_ =	strace $0x80000047;
	v29 =	vor.u32 $0xD, v2;
	s13 =	sshrl.u32 s11, $0x1;
	s9 =	sadd.s32 $0xA00, s9  }
0x11: {  	v31 =	vor.u32 $0xE, v2;
	s10 =	sadd.s32 s8, s10;
	p1 =	sne.s32 s16, $0x0;
	vm0 =	vgt.s32 v1, $0x0;
	v1 =	vimm.s32 $0x0;
	s11 =	ssub.s32 s11, s13  }
0x12: {  	v33 =	vor.u32 $0xF, v2;
	s16 =	simm.s32 $0xA00;
	s13 =	simm.s32 $0x80;
	v3 =	vsel vm0, $0x3F800000, v1;
	vm0 =	vmmov $0xffff;
	s11 =	smax.u32 s11, $0x1  }
.LBB2_3:
.Ltmp1:
0x13: {  	(pc) =	sbr.rel @!p1 .LBB2_4-.Ltmp1, $2  }
0x14: {  	_ =	sdelay $0x1  }
0x15: {  	[bflag:$0x0] =	sbarrier.arrive $0xFFFF;
	_ =	sdelay $0x1  }
.LBB2_5:
0x16: {  	s11 =	sadd.s32 $0xFFFFFFFF, s11  }
0x17: {  	p2 =	sne.s32 s11, $0x0  }
.Ltmp2:
0x18: {  	_ = 	snop;
	(pc) =	sbr.rel @!p2 .LBB2_6-.Ltmp2, $1  }
0x19: {  	_ =	sdelay $0x3  }
.LBB2_1:
.Ltmp3:
0x1a: {  	(pc) =	sbr.rel @p0 .LBB2_3-.Ltmp3, $1  }
0x1b: {  	_ =	sdelay $0x3  }
0x1c: {  	[tilespmem:s5], [sflag:$0x2] =	stream.linear.gather [hbm4b:s9+s5], $0x10, $0x38;
	[tilespmem:$0x1200] =	vst v63  }
0x1d: {  	_ =	swait.ge [sflag:s12], $0x10  }
0x1e: {  	[sflag:s12] =	ssyncset.done $0x0  }
0x1f: {  	[sflag:s12] =	ssyncadd.s32 $0xFFFFFFF0  }
0x20: {  	v50 =	vld [tilespmem:$0x0];
	_ =	sdelay $0x4  }
0x21: {  	v51 =	vshrl.u32 v50, $0x3;
	_ =	sdelay $0x2  }
0x22: {  	v50 =	vshll.u32 v50, $0x4  }
0x23: {  	v50 =	vand.u32 $0x70, v50  }
0x24: {  	v58 =	vor.u32 v2, v50;
	[tilespmem:s13], [sflag:$0x1] =	stream.indirect_vreg.gather [hbm4b:s6+s5], $0x80, v51, vm0, $0xb8;
	[tilespmem:$0x1200] =	vst v63  }
0x25: {  	_ =	swait.ge [sflag:s14], $0x800  }
0x26: {  	[sflag:s14] =	ssyncset.done $0x0  }
0x27: {  	v4 =	vimm.f32 $0.0e+00;
	[sflag:s14] =	ssyncadd.s32 $0xFFFFF800  }
0x28: {  	[tilespmem:$0x880] =	vst v4  }
0x29: {  	v51 =	vld.idx.msk [tilespmem:v58+s13+$0x0], $0xffff;
	_ =	sdelay $0x2  }
0x2a: {  	v52 =	vor.u32 v5, v50;
	_ =	sdelay $0x1  }
0x2b: {  	v51 =	vmul.f32 v3, v51;
	_ =	sdelay $0x1  }
0x2c: {  	[tilespmem:v1+s15+$0x0] =	vst.idx.add.f32.msk $0xffff, v51  }
0x2d: {  	v51 =	vld.idx.msk [tilespmem:v52+s13+$0x0], $0xffff;
	_ =	sdelay $0x1  }
0x2e: {  	v4 =	vimm.s32 $0x1  }
0x2f: {  	v59 =	vor.u32 v7, v50;
	_ =	sdelay $0x1  }
0x30: {  	v51 =	vmul.f32 v3, v51;
	_ =	sdelay $0x1  }
0x31: {  	[tilespmem:v4+s15+$0x0] =	vst.idx.add.f32.msk $0xffff, v51  }
0x32: {  	v51 =	vld.idx.msk [tilespmem:v59+s13+$0x0], $0xffff;
	_ =	sdelay $0x2  }
0x33: {  	v60 =	vor.u32 v9, v50;
	_ =	sdelay $0x1  }
0x34: {  	v51 =	vmul.f32 v3, v51;
	_ =	sdelay $0x1  }
0x35: {  	[tilespmem:v8+s15+$0x0] =	vst.idx.add.f32.msk $0xffff, v51  }
0x36: {  	v51 =	vld.idx.msk [tilespmem:v60+s13+$0x0], $0xffff;
	_ =	sdelay $0x2  }
0x37: {  	v61 =	vor.u32 v11, v50;
	_ =	sdelay $0x1  }
0x38: {  	v51 =	vmul.f32 v3, v51;
	_ =	sdelay $0x1  }
0x39: {  	[tilespmem:v10+s15+$0x0] =	vst.idx.add.f32.msk $0xffff, v51  }
0x3a: {  	v51 =	vld.idx.msk [tilespmem:v61+s13+$0x0], $0xffff;
	_ =	sdelay $0x2  }
0x3b: {  	v62 =	vor.u32 v13, v50;
	_ =	sdelay $0x1  }
0x3c: {  	v51 =	vmul.f32 v3, v51;
	_ =	sdelay $0x1  }
0x3d: {  	[tilespmem:v12+s15+$0x0] =	vst.idx.add.f32.msk $0xffff, v51  }
0x3e: {  	v51 =	vld.idx.msk [tilespmem:v62+s13+$0x0], $0xffff;
	_ =	sdelay $0x2  }
0x3f: {  	v63 =	vor.u32 v15, v50;
	_ =	sdelay $0x1  }
0x40: {  	v51 =	vmul.f32 v3, v51;
	_ =	sdelay $0x1  }
0x41: {  	[tilespmem:v14+s15+$0x0] =	vst.idx.add.f32.msk $0xffff, v51  }
0x42: {  	v51 =	vld.idx.msk [tilespmem:v63+s13+$0x0], $0xffff;
	_ =	sdelay $0x2  }
0x43: {  	v56 =	vor.u32 v17, v50;
	_ =	sdelay $0x1  }
0x44: {  	v51 =	vmul.f32 v3, v51;
	_ =	sdelay $0x1  }
0x45: {  	[tilespmem:v16+s15+$0x0] =	vst.idx.add.f32.msk $0xffff, v51  }
0x46: {  	v51 =	vld.idx.msk [tilespmem:v56+s13+$0x0], $0xffff;
	_ =	sdelay $0x2  }
0x47: {  	v57 =	vor.u32 v19, v50;
	_ =	sdelay $0x1  }
0x48: {  	v51 =	vmul.f32 v3, v51;
	_ =	sdelay $0x1  }
0x49: {  	[tilespmem:v18+s15+$0x0] =	vst.idx.add.f32.msk $0xffff, v51  }
0x4a: {  	v51 =	vld.idx.msk [tilespmem:v57+s13+$0x0], $0xffff;
	_ =	sdelay $0x2  }
0x4b: {  	v58 =	vor.u32 v21, v50;
	_ =	sdelay $0x1  }
0x4c: {  	v51 =	vmul.f32 v3, v51;
	_ =	sdelay $0x1  }
0x4d: {  	[tilespmem:v20+s15+$0x0] =	vst.idx.add.f32.msk $0xffff, v51  }
0x4e: {  	v51 =	vld.idx.msk [tilespmem:v58+s13+$0x0], $0xffff;
	_ =	sdelay $0x2  }
0x4f: {  	v59 =	vor.u32 v23, v50;
	_ =	sdelay $0x1  }
0x50: {  	v51 =	vmul.f32 v3, v51;
	_ =	sdelay $0x1  }
0x51: {  	[tilespmem:v22+s15+$0x0] =	vst.idx.add.f32.msk $0xffff, v51  }
0x52: {  	v51 =	vld.idx.msk [tilespmem:v59+s13+$0x0], $0xffff;
	_ =	sdelay $0x2  }
0x53: {  	v60 =	vor.u32 v25, v50;
	_ =	sdelay $0x1  }
0x54: {  	v51 =	vmul.f32 v3, v51;
	_ =	sdelay $0x1  }
0x55: {  	[tilespmem:v24+s15+$0x0] =	vst.idx.add.f32.msk $0xffff, v51  }
0x56: {  	v51 =	vld.idx.msk [tilespmem:v60+s13+$0x0], $0xffff;
	_ =	sdelay $0x2  }
0x57: {  	v61 =	vor.u32 v27, v50;
	_ =	sdelay $0x1  }
0x58: {  	v51 =	vmul.f32 v3, v51;
	_ =	sdelay $0x1  }
0x59: {  	[tilespmem:v26+s15+$0x0] =	vst.idx.add.f32.msk $0xffff, v51  }
0x5a: {  	v51 =	vld.idx.msk [tilespmem:v61+s13+$0x0], $0xffff;
	_ =	sdelay $0x2  }
0x5b: {  	v62 =	vor.u32 v29, v50;
	_ =	sdelay $0x1  }
0x5c: {  	v51 =	vmul.f32 v3, v51;
	_ =	sdelay $0x1  }
0x5d: {  	[tilespmem:v28+s15+$0x0] =	vst.idx.add.f32.msk $0xffff, v51  }
0x5e: {  	v51 =	vld.idx.msk [tilespmem:v62+s13+$0x0], $0xffff;
	_ =	sdelay $0x2  }
0x5f: {  	v63 =	vor.u32 v31, v50;
	_ =	sdelay $0x1  }
0x60: {  	v51 =	vmul.f32 v3, v51;
	_ =	sdelay $0x1  }
0x61: {  	[tilespmem:v30+s15+$0x0] =	vst.idx.add.f32.msk $0xffff, v51  }
0x62: {  	v51 =	vld.idx.msk [tilespmem:v63+s13+$0x0], $0xffff;
	_ =	sdelay $0x2  }
0x63: {  	v50 =	vor.u32 v33, v50;
	_ =	sdelay $0x1  }
0x64: {  	v51 =	vmul.f32 v3, v51;
	_ =	sdelay $0x1  }
0x65: {  	[tilespmem:v32+s15+$0x0] =	vst.idx.add.f32.msk $0xffff, v51  }
0x66: {  	v50 =	vld.idx.msk [tilespmem:v50+s13+$0x0], $0xffff;
	_ =	sdelay $0x4  }
0x67: {  	v50 =	vmul.f32 v3, v50;
	_ =	sdelay $0x1  }
.Ltmp4:
0x68: {  	[tilespmem:v34+s15+$0x0] =	vst.idx.add.f32.msk $0xffff, v50;
	(pc) =	sbr.rel .LBB2_3-.Ltmp4, $4  }
0x69: {  	[hbm4b:s10+s5] =	stream.linear.scatter [tilespmem:s15], [sflag:$0x2], $0x10, $0x38;
	[tilespmem:$0x1200] =	vst v63  }
0x6a: {  	_ =	swait.ge [sflag:s12], $0x10  }
0x6b: {  	[sflag:s12] =	ssyncset.done $0x0  }
0x6c: {  	[sflag:s12] =	ssyncadd.s32 $0xFFFFFFF0  }
.LBB2_4:
0x6d: {  	_ =	sdelay $0x3  }
0x6e: {  	[tilespmem:s16], [sflag:$0x1] =	stream.indirect_vreg.gather [hbm4b:s8+s5], $0x80, v0, vm0, $0xb8;
	[tilespmem:$0x1200] =	vst v63  }
0x6f: {  	_ =	swait.ge [sflag:s14], $0x800  }
0x70: {  	[sflag:s14] =	ssyncset.done $0x0  }
0x71: {  	[sflag:s14] =	ssyncadd.s32 $0xFFFFF800  }
0x72: {  	v50 =	vld.idx.msk [tilespmem:v0+s16+$0x0], $0xffff  }
0x73: {  	v51 =	vld.idx.msk [tilespmem:v35+s16+$0x0], $0xffff  }
0x74: {  	v52 =	vld.idx.msk [tilespmem:v36+s16+$0x0], $0xffff  }
0x75: {  	v53 =	vld.idx.msk [tilespmem:v37+s16+$0x0], $0xffff  }
0x76: {  	v54 =	vld.idx.msk [tilespmem:v38+s16+$0x0], $0xffff  }
0x77: {  	v55 =	vld.idx.msk [tilespmem:v39+s16+$0x0], $0xffff  }
0x78: {  	v56 =	vld.idx.msk [tilespmem:v40+s16+$0x0], $0xffff  }
0x79: {  	v57 =	vld.idx.msk [tilespmem:v41+s16+$0x0], $0xffff  }
0x7a: {  	v58 =	vld.idx.msk [tilespmem:v42+s16+$0x0], $0xffff  }
0x7b: {  	v59 =	vld.idx.msk [tilespmem:v43+s16+$0x0], $0xffff  }
0x7c: {  	v60 =	vld.idx.msk [tilespmem:v44+s16+$0x0], $0xffff  }
0x7d: {  	v61 =	vld.idx.msk [tilespmem:v45+s16+$0x0], $0xffff  }
0x7e: {  	v62 =	vld.idx.msk [tilespmem:v46+s16+$0x0], $0xffff  }
0x7f: {  	v63 =	vld.idx.msk [tilespmem:v47+s16+$0x0], $0xffff  }
0x80: {  	v4 =	vld.idx.msk [tilespmem:v48+s16+$0x0], $0xffff  }
0x81: {  	v6 =	vld.idx.msk [tilespmem:v49+s16+$0x0], $0xffff;
	_ =	sdelay $0x1  }
0x82: {  	v50 =	vadd.f32 v51, v50;
	v51 =	vadd.f32 v53, v52  }
0x83: {  	v52 =	vadd.f32 v55, v54;
	v53 =	vadd.f32 v57, v56  }
0x84: {  	v54 =	vadd.f32 v59, v58;
	v60 =	vadd.f32 v61, v60  }
0x85: {  	v61 =	vadd.f32 v63, v62;
	v4 =	vadd.f32 v6, v4  }
0x86: {  	v6 =	vadd.f32 v51, v50;
	v62 =	vadd.f32 v53, v52  }
0x87: {  	v63 =	vadd.f32 v60, v54;
	v4 =	vadd.f32 v4, v61;
	_ =	sdelay $0x1  }
0x88: {  	v6 =	vadd.f32 v62, v6;
	v4 =	vadd.f32 v4, v63;
	_ =	sdelay $0x1  }
0x89: {  	v4 =	vadd.f32 v4, v6;
	_ =	sdelay $0x1  }
0x8a: {  	[tilespmem:$0x880] =	vst v4  }
0x8b: {  	[hbm4b:s2+s5] =	stream.linear.scatter [tilespmem:s15], [sflag:$0x2], $0x80, $0x38;
	[tilespmem:$0x1200] =	vst v63  }
0x8c: {  	_ =	swait.ge [sflag:s12], $0x80  }
0x8d: {  	[sflag:s12] =	ssyncset.done $0x0  }
0x8e: {  	[sflag:s12] =	ssyncadd.s32 $0xFFFFFF80  }
0x8f: {  	[tilespmem:s17], [sflag:$0x2] =	stream.linear.gather [hbm4b:s1+s5], $0x80, $0x38;
	[tilespmem:$0x1200] =	vst v63  }
0x90: {  	_ =	swait.ge [sflag:s12], $0x80  }
0x91: {  	[sflag:s12] =	ssyncset.done $0x0  }
0x92: {  	[sflag:s12] =	ssyncadd.s32 $0xFFFFFF80  }
0x93: {  	[tilespmem:s18], [sflag:$0x2] =	stream.linear.gather [hbm4b:s7+s5], $0x80, $0x38;
	[tilespmem:$0x1200] =	vst v63  }
0x94: {  	_ =	swait.ge [sflag:s12], $0x80  }
0x95: {  	[sflag:s12] =	ssyncset.done $0x0  }
0x96: {  	[sflag:s12] =	ssyncadd.s32 $0xFFFFFF80  }
0x97: {  	v6 =	vld [tilespmem:$0x900];
	_ =	sdelay $0x4  }
0x98: {  	v4 =	vmul.f32 v6, v4;
	_ =	sdelay $0x1  }
0x99: {  	(xrf2) =	vadd.scan.msk.f32 $0xffff, v4;
	_ =	sdelay $0x7  }
0x9a: {  	v4 =	vld [tilespmem:$0x980];
	_ =	sdelay $0x1  }
0x9b: {  	v6, _, _ =	vpop (xrf2)  }
0x9c: {  	v6 =	vbroadcast v6, $0xF;
	_ =	sdelay $0x1  }
0x9d: {  	v4 =	vadd.f32 v6, v4;
	_ =	sdelay $0x1  }
0x9e: {  	v4 =	vsub.f32 $0.0e+00, v4;
	_ =	sdelay $0x1  }
0x9f: {  	v4 =	vmul.f32 $1.442695020e+00, v4;
	_ =	sdelay $0x1  }
0xa0: {  	(erf) = vpow2.f32 v4;
	_ =	sdelay $0x8  }
0xa1: {  	v4 =	vpop (erf)  }
0xa2: {  	v4 =	vadd.f32 $1.000000000e+00, v4;
	_ =	sdelay $0x1  }
0xa3: {  	(erf) = vrcp.f32 v4;
	_ =	sdelay $0x8  }
0xa4: {  	v4 =	vpop (erf)  }
.Ltmp5:
0xa5: {  	[tilespmem:$0x880] =	vst v4;
	(pc) =	sbr.rel .LBB2_5-.Ltmp5, $4  }
0xa6: {  	[hbm4b:s4+s5] =	stream.linear.scatter [tilespmem:s15], [sflag:$0x2], $0x80, $0x38;
	[tilespmem:$0x1200] =	vst v63  }
0xa7: {  	_ =	swait.ge [sflag:s12], $0x80  }
0xa8: {  	[sflag:s12] =	ssyncset.done $0x0  }
0xa9: {  	[sflag:s12] =	ssyncadd.s32 $0xFFFFFF80  }
.LBB2_6:
0xaa: {  	_ =	sfence.sel $0x180000  }
0xab: {  	[bflag:$0x0] =	sbarrier.arrive $0xFFFF  }
0xac: {  	p0 =	sne.s32 s0, $0x0;
	_ =	strace $0x90000047  }
0xad: {  	s0 =	sadd.s32 @!p0 $0x100000, s3;
	[bflag:$0x2] =	sbarrier.arrive $0xFFFF  }
0xae: {  	[sflag:s0] =	ssyncadd.tile.s32 @!p0 $0x1;
	_ =	shalt  }
.Lfunc_end2:
_tile_overlayer_lowered:
.L_overlay_start_2:
0xaf: {  	(tag) =	ssettag $0x2  }
0xb0: {  	s0 =	rddreg [dreg:$0x0];
	s2 =	stileid.u32  }
0xb1: {  	s1 =	rddreg [dreg:$0x1];
	p0 =	sne.s32 s2, $0x0  }
0xb2: {  	s3 =	rddreg [dreg:$0x2];
	[bflag:$0x3] =	sbarrier.arrive $0xFFFF;
	s2 =	simm.s32 @!p0 $0x1C02  }
0xb3: {  	[timem:s3], [sflag:s2] =	dma.local @!p0 [hbm:s0], s1  }
0xb4: {  	s0 =	simm.s32 @!p0 $0x2  }
0xb5: {  	_ =	swait.ge @!p0 [sflag:s0], s1  }
0xb6: {  	s1 =	ssub.s32 @!p0 $0x0, s1;
	[sflag:s0] =	ssyncset.done @!p0 $0x0  }
0xb7: {  	[sflag:s0] =	ssyncadd.s32 @!p0 s1  }
0xb8: {  	[bflag:$0x3] =	sbarrier.arrive $0xFFFF  }
0xb9: {  	_ =	shalt  }

</sc_bundles>
